<compile_context>
chip_gen: v7x
topology: tpu7x:2x2x1
jax: 0.10.2.dev20260603
libtpu: 0.0.44.dev20260713+nightly
codegen_flags: <defaults>
</compile_context>

<pallas_src>
import functools

import jax
import jax.numpy as jnp
from jax import lax
from jax.experimental import pallas as pl
from jax.experimental.pallas import tpu as pltpu
from jax.experimental.pallas import tpu_sc as plsc

BATCH = 16384
LANES = 16
CHUNK = 512


@functools.cache
def _build(num_workers: int, b_per_w: int):
    nch = b_per_w // CHUNK
    mesh = plsc.VectorSubcoreMesh(core_axis_name="c", subcore_axis_name="s")
    num_cores = mesh.num_cores

    @functools.partial(
        pl.kernel,
        mesh=mesh,
        out_type=jax.ShapeDtypeStruct((BATCH,), jnp.float32),
        scratch_types=[
            pltpu.VMEM((b_per_w,), jnp.int32),
            pltpu.VMEM((b_per_w,), jnp.int32),
            pltpu.VMEM((b_per_w,), jnp.float32),
            pltpu.VMEM((b_per_w,), jnp.float32),
            pltpu.VMEM((LANES,), jnp.float32),
            pltpu.SemaphoreType.DMA,
            pltpu.SemaphoreType.DMA,
        ],
    )
    def k(user_hbm, mission_hbm, ut_hbm, mt_hbm, bias_hbm, out_hbm,
          uidx_v, midx_v, uval_v, mval_v, bias_v, sem_u, sem_m):
        wid = lax.axis_index("s") * num_cores + lax.axis_index("c")
        base = wid * b_per_w
        ld_u = pltpu.async_copy(user_hbm.at[pl.ds(base, b_per_w)], uidx_v, sem_u)
        ld_m = pltpu.async_copy(mission_hbm.at[pl.ds(base, b_per_w)], midx_v, sem_m)
        pltpu.sync_copy(bias_hbm, bias_v.at[pl.ds(0, 1)])
        copies = []
        ld_u.wait()
        for c in range(nch):
            s = pl.ds(c * CHUNK, CHUNK)
            copies.append(
                pltpu.async_copy(ut_hbm.at[uidx_v.at[s]], uval_v.at[s], sem_u))
        ld_m.wait()
        for c in range(nch):
            s = pl.ds(c * CHUNK, CHUNK)
            copies.append(
                pltpu.async_copy(mt_hbm.at[midx_v.at[s]], mval_v.at[s], sem_m))
        for cp in copies:
            cp.wait()
        bv = bias_v[...][0]
        for i in range(b_per_w // LANES):
            s = pl.ds(i * LANES, LANES)
            uval_v[s] = uval_v[s] + mval_v[s] + bv
        pltpu.sync_copy(uval_v, out_hbm.at[pl.ds(base, b_per_w)])

    return k


def kernel(user, mission, user_table, mission_table, bias):
    info = plsc.get_sparse_core_info()
    num_workers = info.num_cores * info.num_subcores
    b_per_w = BATCH // num_workers
    k = _build(num_workers, b_per_w)
    return k(
        user,
        mission,
        user_table.reshape(-1),
        mission_table.reshape(-1),
        bias,
    )

# --- scband reference (transcript-rebuilt; emitter-appended) ---
"""Pipeline reference for scband-mission-linear-regression-7876970021151 (READ-ONLY COPY).

The authoritative reference and input builder live on the scoring server;
editing this copy changes nothing except your own understanding.
"""

import jax, jax.numpy as jnp
import numpy as np

NUM_USERS = 1000000
NUM_MISSIONS = 100000
BATCH = 16384

def setup_inputs(seed: int = 0) -> dict:
    key = jax.random.key(seed)
    k1, k2, k3, k4 = jax.random.split(key, 4)
    user = jax.random.randint(k1, (BATCH,), 0, NUM_USERS, dtype=jnp.int64 if jax.config.jax_enable_x64 else jnp.int32)
    mission = jax.random.randint(k2, (BATCH,), 0, NUM_MISSIONS, dtype=jnp.int64 if jax.config.jax_enable_x64 else jnp.int32)
    user_table = jax.random.normal(k3, (NUM_USERS, 1), dtype=jnp.float32)
    mission_table = jax.random.normal(k4, (NUM_MISSIONS, 1), dtype=jnp.float32)
    bias = jnp.zeros((1,), dtype=jnp.float32)
    return {"user": user, "mission": mission, "user_table": user_table, "mission_table": mission_table, "bias": bias}

def reference(user, mission, user_table, mission_table, bias):
    # embedding lookups (gather), dim=1 -> squeeze
    user_emb = jnp.take(user_table, user, axis=0).squeeze(-1)        # [B]
    mission_emb = jnp.take(mission_table, mission, axis=0).squeeze(-1)  # [B]
    dot = user_emb + mission_emb + bias                              # broadcast bias[1] -> [B]
    return dot.reshape(-1)

if __name__ == "__main__":
    import jax
    _d = setup_inputs()
    print(jax.jit(kernel)(*tuple(_d.values())))

</pallas_src>

<mosaic_0001>
#map = affine_map<(d0, d1) -> (0)>
module attributes {stable_mosaic.version = 14 : i64} {
  func.func @k(%arg0: i32, %arg1: i32, %arg2: memref<16384xi32, #tpu.memory_space<hbm>>, %arg3: memref<16384xi32, #tpu.memory_space<hbm>>, %arg4: memref<1000000xf32, #tpu.memory_space<hbm>>, %arg5: memref<100000xf32, #tpu.memory_space<hbm>>, %arg6: memref<1xf32, #tpu.memory_space<hbm>>, %arg7: memref<16384xf32, #tpu.memory_space<hbm>>, %arg8: memref<512xi32, #tpu.memory_space<vmem>>, %arg9: memref<512xi32, #tpu.memory_space<vmem>>, %arg10: memref<512xf32, #tpu.memory_space<vmem>>, %arg11: memref<512xf32, #tpu.memory_space<vmem>>, %arg12: memref<16xf32, #tpu.memory_space<vmem>>, %arg13: memref<!tpu.dma_semaphore, #tpu.memory_space<semaphore_mem>>, %arg14: memref<!tpu.dma_semaphore, #tpu.memory_space<semaphore_mem>>) attributes {dimension_semantics = [#tpu.dimension_semantics<core_parallel>, #tpu.dimension_semantics<subcore_parallel>], iteration_bounds = array<i64: 2, 16>, scalar_prefetch = 0 : i64, scratch_operands = 7 : i64, tpu.core_type = #tpu.core_type<sc_vector_subcore>, window_params = [{transform_indices = #map}, {transform_indices = #map}, {transform_indices = #map}, {transform_indices = #map}, {transform_indices = #map}, {transform_indices = #map}]} {
    %mul3A = arith.constant 2 : i32
    %mul3A_0 = arith.muli %arg1, %mul3A : i32
    %add3A = arith.addi %mul3A_0, %arg0 : i32
    %mul3A_1 = arith.constant 512 : i32
    %mul3A_2 = arith.muli %add3A, %mul3A_1 : i32
    %dma_start3A = tpu.memref_slice %arg2[%mul3A_2] : memref<16384xi32, #tpu.memory_space<hbm>> -> memref<512xi32, #tpu.memory_space<hbm>>
    %dma_start3A_3 = tpu.memref_slice %arg2[%mul3A_2] : memref<16384xi32, #tpu.memory_space<hbm>> -> memref<512xi32, #tpu.memory_space<hbm>>
    tpu.enqueue_dma source(%dma_start3A_3 : memref<512xi32, #tpu.memory_space<hbm>>) target(%arg8 : memref<512xi32, #tpu.memory_space<vmem>>) target_semaphore(%arg13 : memref<!tpu.dma_semaphore, #tpu.memory_space<semaphore_mem>>)
    %dma_start3A_4 = tpu.memref_slice %arg3[%mul3A_2] : memref<16384xi32, #tpu.memory_space<hbm>> -> memref<512xi32, #tpu.memory_space<hbm>>
    %dma_start3A_5 = tpu.memref_slice %arg3[%mul3A_2] : memref<16384xi32, #tpu.memory_space<hbm>> -> memref<512xi32, #tpu.memory_space<hbm>>
    tpu.enqueue_dma source(%dma_start3A_5 : memref<512xi32, #tpu.memory_space<hbm>>) target(%arg9 : memref<512xi32, #tpu.memory_space<vmem>>) target_semaphore(%arg14 : memref<!tpu.dma_semaphore, #tpu.memory_space<semaphore_mem>>)
    "tpu.region"() ({
      %run_scoped3A = tpu.sem_alloc : memref<!tpu.dma_semaphore, #tpu.memory_space<semaphore_mem>>
      %dma_start3A_450 = arith.constant 0 : i32
      %dma_start3A_451 = tpu.memref_slice %arg12[%dma_start3A_450] : memref<16xf32, #tpu.memory_space<vmem>> -> memref<1xf32, #tpu.memory_space<vmem>>
      %dma_start3A_452 = arith.constant 0 : i32
      %dma_start3A_453 = tpu.memref_slice %arg12[%dma_start3A_452] : memref<16xf32, #tpu.memory_space<vmem>> -> memref<1xf32, #tpu.memory_space<vmem>>
      tpu.enqueue_dma source(%arg6 : memref<1xf32, #tpu.memory_space<hbm>>) target(%dma_start3A_453 : memref<1xf32, #tpu.memory_space<vmem>>) target_semaphore(%run_scoped3A : memref<!tpu.dma_semaphore, #tpu.memory_space<semaphore_mem>>)
      %dma_wait3A_454 = arith.constant 0 : i32
      %dma_wait3A_455 = tpu.memref_slice %arg12[%dma_wait3A_454] : memref<16xf32, #tpu.memory_space<vmem>> -> memref<1xf32, #tpu.memory_space<vmem>>
      %dma_wait3A_456 = arith.constant 0 : i32
      %dma_wait3A_457 = tpu.memref_slice %arg12[%dma_wait3A_456] : memref<16xf32, #tpu.memory_space<vmem>> -> memref<1xf32, #tpu.memory_space<vmem>>
      tpu.wait_dma2 semaphore(%run_scoped3A : memref<!tpu.dma_semaphore, #tpu.memory_space<semaphore_mem>>) src(%arg6 : memref<1xf32, #tpu.memory_space<hbm>>) dst(%dma_wait3A_457 : memref<1xf32, #tpu.memory_space<vmem>>)
      tpu.yield
    }) : () -> ()
    %dma_wait3A = tpu.memref_slice %arg2[%mul3A_2] : memref<16384xi32, #tpu.memory_space<hbm>> -> memref<512xi32, #tpu.memory_space<hbm>>
    %dma_wait3A_6 = tpu.memref_slice %arg2[%mul3A_2] : memref<16384xi32, #tpu.memory_space<hbm>> -> memref<512xi32, #tpu.memory_space<hbm>>
    tpu.wait_dma2 semaphore(%arg13 : memref<!tpu.dma_semaphore, #tpu.memory_space<semaphore_mem>>) src(%dma_wait3A_6 : memref<512xi32, #tpu.memory_space<hbm>>) dst(%arg8 : memref<512xi32, #tpu.memory_space<vmem>>)
    %dma_start3A_7 = arith.constant 0 : i32
    %dma_start3A_8 = tpu.memref_slice %arg10[%dma_start3A_7] : memref<512xf32, #tpu.memory_space<vmem>> -> memref<512xf32, #tpu.memory_space<vmem>>
    %dma_start3A_9 = arith.constant 0 : i32
    %dma_start3A_10 = tpu.memref_slice %arg8[%dma_start3A_9] : memref<512xi32, #tpu.memory_space<vmem>> -> memref<512xi32, #tpu.memory_space<vmem>>
    %dma_start3A_11 = arith.constant 0 : i32
    %dma_start3A_12 = tpu.memref_slice %arg4[%dma_start3A_11] : memref<1000000xf32, #tpu.memory_space<hbm>> -> memref<1000000xf32, #tpu.memory_space<hbm>>
    tpu.enqueue_indirect_dma source(%dma_start3A_12 : memref<1000000xf32, #tpu.memory_space<hbm>>) target(%dma_start3A_8 : memref<512xf32, #tpu.memory_space<vmem>>) offsets(%dma_start3A_10 : memref<512xi32, #tpu.memory_space<vmem>>) semaphore(%arg13 : memref<!tpu.dma_semaphore, #tpu.memory_space<semaphore_mem>>)
    %dma_wait3A_13 = tpu.memref_slice %arg3[%mul3A_2] : memref<16384xi32, #tpu.memory_space<hbm>> -> memref<512xi32, #tpu.memory_space<hbm>>
    %dma_wait3A_14 = tpu.memref_slice %arg3[%mul3A_2] : memref<16384xi32, #tpu.memory_space<hbm>> -> memref<512xi32, #tpu.memory_space<hbm>>
    tpu.wait_dma2 semaphore(%arg14 : memref<!tpu.dma_semaphore, #tpu.memory_space<semaphore_mem>>) src(%dma_wait3A_14 : memref<512xi32, #tpu.memory_space<hbm>>) dst(%arg9 : memref<512xi32, #tpu.memory_space<vmem>>)
    %dma_start3A_15 = arith.constant 0 : i32
    %dma_start3A_16 = tpu.memref_slice %arg11[%dma_start3A_15] : memref<512xf32, #tpu.memory_space<vmem>> -> memref<512xf32, #tpu.memory_space<vmem>>
    %dma_start3A_17 = arith.constant 0 : i32
    %dma_start3A_18 = tpu.memref_slice %arg9[%dma_start3A_17] : memref<512xi32, #tpu.memory_space<vmem>> -> memref<512xi32, #tpu.memory_space<vmem>>
    %dma_start3A_19 = arith.constant 0 : i32
    %dma_start3A_20 = tpu.memref_slice %arg5[%dma_start3A_19] : memref<100000xf32, #tpu.memory_space<hbm>> -> memref<100000xf32, #tpu.memory_space<hbm>>
    tpu.enqueue_indirect_dma source(%dma_start3A_20 : memref<100000xf32, #tpu.memory_space<hbm>>) target(%dma_start3A_16 : memref<512xf32, #tpu.memory_space<vmem>>) offsets(%dma_start3A_18 : memref<512xi32, #tpu.memory_space<vmem>>) semaphore(%arg14 : memref<!tpu.dma_semaphore, #tpu.memory_space<semaphore_mem>>)
    %dma_wait3A_21 = arith.constant 0 : i32
    %dma_wait3A_22 = tpu.memref_slice %arg10[%dma_wait3A_21] : memref<512xf32, #tpu.memory_space<vmem>> -> memref<512xf32, #tpu.memory_space<vmem>>
    %dma_wait3A_23 = arith.constant 0 : i32
    %dma_wait3A_24 = tpu.memref_slice %arg8[%dma_wait3A_23] : memref<512xi32, #tpu.memory_space<vmem>> -> memref<512xi32, #tpu.memory_space<vmem>>
    %dma_wait3A_25 = arith.constant 0 : i32
    %dma_wait3A_26 = tpu.memref_slice %arg4[%dma_wait3A_25] : memref<1000000xf32, #tpu.memory_space<hbm>> -> memref<1000000xf32, #tpu.memory_space<hbm>>
    tpu.wait_indirect_dma semaphore(%arg13 : memref<!tpu.dma_semaphore, #tpu.memory_space<semaphore_mem>>) src(%dma_wait3A_26 : memref<1000000xf32, #tpu.memory_space<hbm>>) dst(%dma_wait3A_22 : memref<512xf32, #tpu.memory_space<vmem>>)
    %dma_wait3A_27 = arith.constant 0 : i32
    %dma_wait3A_28 = tpu.memref_slice %arg11[%dma_wait3A_27] : memref<512xf32, #tpu.memory_space<vmem>> -> memref<512xf32, #tpu.memory_space<vmem>>
    %dma_wait3A_29 = arith.constant 0 : i32
    %dma_wait3A_30 = tpu.memref_slice %arg9[%dma_wait3A_29] : memref<512xi32, #tpu.memory_space<vmem>> -> memref<512xi32, #tpu.memory_space<vmem>>
    %dma_wait3A_31 = arith.constant 0 : i32
    %dma_wait3A_32 = tpu.memref_slice %arg5[%dma_wait3A_31] : memref<100000xf32, #tpu.memory_space<hbm>> -> memref<100000xf32, #tpu.memory_space<hbm>>
    tpu.wait_indirect_dma semaphore(%arg14 : memref<!tpu.dma_semaphore, #tpu.memory_space<semaphore_mem>>) src(%dma_wait3A_32 : memref<100000xf32, #tpu.memory_space<hbm>>) dst(%dma_wait3A_28 : memref<512xf32, #tpu.memory_space<vmem>>)
    %get3A = arith.constant 0 : index
    %get3A_33 = tpu.vector_load %arg12[%get3A] {strides = array<i32>} : memref<16xf32, #tpu.memory_space<vmem>>, vector<16xf32>,
    %get3A_34 = vector.shape_cast %get3A_33 : vector<16xf32> to vector<16xf32>
    %slice3A = vector.extract_strided_slice %get3A_34 {offsets = [0], sizes = [1], strides = [1]} : vector<16xf32> to vector<1xf32>
    %squeeze3A = vector.extract %slice3A[0] : f32 from vector<1xf32>
    %get3A_35 = arith.constant 0 : index
    %get3A_36 = tpu.vector_load %arg10[%get3A_35] {strides = array<i32>} : memref<512xf32, #tpu.memory_space<vmem>>, vector<16xf32>,
    %get3A_37 = vector.shape_cast %get3A_36 : vector<16xf32> to vector<16xf32>
    %get3A_38 = arith.constant 0 : index
    %get3A_39 = tpu.vector_load %arg11[%get3A_38] {strides = array<i32>} : memref<512xf32, #tpu.memory_space<vmem>>, vector<16xf32>,
    %get3A_40 = vector.shape_cast %get3A_39 : vector<16xf32> to vector<16xf32>
    %add3A_41 = arith.addf %get3A_37, %get3A_40 : vector<16xf32>
    %add3A_42 = vector.broadcast %squeeze3A : f32 to vector<16xf32>
    %add3A_43 = arith.addf %add3A_41, %add3A_42 : vector<16xf32>
    %swap3A = arith.constant 0 : index
    %swap3A_44 = tpu.vector_load %arg10[%swap3A] {strides = array<i32>} : memref<512xf32, #tpu.memory_space<vmem>>, vector<16xf32>,
    %swap3A_45 = vector.shape_cast %swap3A_44 : vector<16xf32> to vector<16xf32>
    %swap3A_46 = vector.shape_cast %add3A_43 : vector<16xf32> to vector<16xf32>
    tpu.vector_store %arg10[%swap3A], %swap3A_46 {strides = array<i32>} : memref<512xf32, #tpu.memory_space<vmem>>, vector<16xf32>,
    %get3A_47 = arith.constant 16 : index
    %get3A_48 = tpu.vector_load %arg10[%get3A_47] {strides = array<i32>} : memref<512xf32, #tpu.memory_space<vmem>>, vector<16xf32>,
    %get3A_49 = vector.shape_cast %get3A_48 : vector<16xf32> to vector<16xf32>
    %get3A_50 = arith.constant 16 : index
    %get3A_51 = tpu.vector_load %arg11[%get3A_50] {strides = array<i32>} : memref<512xf32, #tpu.memory_space<vmem>>, vector<16xf32>,
    %get3A_52 = vector.shape_cast %get3A_51 : vector<16xf32> to vector<16xf32>
    %add3A_53 = arith.addf %get3A_49, %get3A_52 : vector<16xf32>
    %add3A_54 = vector.broadcast %squeeze3A : f32 to vector<16xf32>
    %add3A_55 = arith.addf %add3A_53, %add3A_54 : vector<16xf32>
    %swap3A_56 = arith.constant 16 : index
    %swap3A_57 = tpu.vector_load %arg10[%swap3A_56] {strides = array<i32>} : memref<512xf32, #tpu.memory_space<vmem>>, vector<16xf32>,
    %swap3A_58 = vector.shape_cast %swap3A_57 : vector<16xf32> to vector<16xf32>
    %swap3A_59 = vector.shape_cast %add3A_55 : vector<16xf32> to vector<16xf32>
    tpu.vector_store %arg10[%swap3A_56], %swap3A_59 {strides = array<i32>} : memref<512xf32, #tpu.memory_space<vmem>>, vector<16xf32>,
    %get3A_60 = arith.constant 32 : index
    %get3A_61 = tpu.vector_load %arg10[%get3A_60] {strides = array<i32>} : memref<512xf32, #tpu.memory_space<vmem>>, vector<16xf32>,
    %get3A_62 = vector.shape_cast %get3A_61 : vector<16xf32> to vector<16xf32>
    %get3A_63 = arith.constant 32 : index
    %get3A_64 = tpu.vector_load %arg11[%get3A_63] {strides = array<i32>} : memref<512xf32, #tpu.memory_space<vmem>>, vector<16xf32>,
    %get3A_65 = vector.shape_cast %get3A_64 : vector<16xf32> to vector<16xf32>
    %add3A_66 = arith.addf %get3A_62, %get3A_65 : vector<16xf32>
    %add3A_67 = vector.broadcast %squeeze3A : f32 to vector<16xf32>
    %add3A_68 = arith.addf %add3A_66, %add3A_67 : vector<16xf32>
    %swap3A_69 = arith.constant 32 : index
    %swap3A_70 = tpu.vector_load %arg10[%swap3A_69] {strides = array<i32>} : memref<512xf32, #tpu.memory_space<vmem>>, vector<16xf32>,
    %swap3A_71 = vector.shape_cast %swap3A_70 : vector<16xf32> to vector<16xf32>
    %swap3A_72 = vector.shape_cast %add3A_68 : vector<16xf32> to vector<16xf32>
    tpu.vector_store %arg10[%swap3A_69], %swap3A_72 {strides = array<i32>} : memref<512xf32, #tpu.memory_space<vmem>>, vector<16xf32>,
    %get3A_73 = arith.constant 48 : index
    %get3A_74 = tpu.vector_load %arg10[%get3A_73] {strides = array<i32>} : memref<512xf32, #tpu.memory_space<vmem>>, vector<16xf32>,
    %get3A_75 = vector.shape_cast %get3A_74 : vector<16xf32> to vector<16xf32>
    %get3A_76 = arith.constant 48 : index
    %get3A_77 = tpu.vector_load %arg11[%get3A_76] {strides = array<i32>} : memref<512xf32, #tpu.memory_space<vmem>>, vector<16xf32>,
    %get3A_78 = vector.shape_cast %get3A_77 : vector<16xf32> to vector<16xf32>
    %add3A_79 = arith.addf %get3A_75, %get3A_78 : vector<16xf32>
    %add3A_80 = vector.broadcast %squeeze3A : f32 to vector<16xf32>
    %add3A_81 = arith.addf %add3A_79, %add3A_80 : vector<16xf32>
    %swap3A_82 = arith.constant 48 : index
    %swap3A_83 = tpu.vector_load %arg10[%swap3A_82] {strides = array<i32>} : memref<512xf32, #tpu.memory_space<vmem>>, vector<16xf32>,
    %swap3A_84 = vector.shape_cast %swap3A_83 : vector<16xf32> to vector<16xf32>
    %swap3A_85 = vector.shape_cast %add3A_81 : vector<16xf32> to vector<16xf32>
    tpu.vector_store %arg10[%swap3A_82], %swap3A_85 {strides = array<i32>} : memref<512xf32, #tpu.memory_space<vmem>>, vector<16xf32>,
    %get3A_86 = arith.constant 64 : index
    %get3A_87 = tpu.vector_load %arg10[%get3A_86] {strides = array<i32>} : memref<512xf32, #tpu.memory_space<vmem>>, vector<16xf32>,
    %get3A_88 = vector.shape_cast %get3A_87 : vector<16xf32> to vector<16xf32>
    %get3A_89 = arith.constant 64 : index
    %get3A_90 = tpu.vector_load %arg11[%get3A_89] {strides = array<i32>} : memref<512xf32, #tpu.memory_space<vmem>>, vector<16xf32>,
    %get3A_91 = vector.shape_cast %get3A_90 : vector<16xf32> to vector<16xf32>
    %add3A_92 = arith.addf %get3A_88, %get3A_91 : vector<16xf32>
    %add3A_93 = vector.broadcast %squeeze3A : f32 to vector<16xf32>
    %add3A_94 = arith.addf %add3A_92, %add3A_93 : vector<16xf32>
    %swap3A_95 = arith.constant 64 : index
    %swap3A_96 = tpu.vector_load %arg10[%swap3A_95] {strides = array<i32>} : memref<512xf32, #tpu.memory_space<vmem>>, vector<16xf32>,
    %swap3A_97 = vector.shape_cast %swap3A_96 : vector<16xf32> to vector<16xf32>
    %swap3A_98 = vector.shape_cast %add3A_94 : vector<16xf32> to vector<16xf32>
    tpu.vector_store %arg10[%swap3A_95], %swap3A_98 {strides = array<i32>} : memref<512xf32, #tpu.memory_space<vmem>>, vector<16xf32>,
    %get3A_99 = arith.constant 80 : index
    %get3A_100 = tpu.vector_load %arg10[%get3A_99] {strides = array<i32>} : memref<512xf32, #tpu.memory_space<vmem>>, vector<16xf32>,
    %get3A_101 = vector.shape_cast %get3A_100 : vector<16xf32> to vector<16xf32>
    %get3A_102 = arith.constant 80 : index
    %get3A_103 = tpu.vector_load %arg11[%get3A_102] {strides = array<i32>} : memref<512xf32, #tpu.memory_space<vmem>>, vector<16xf32>,
    %get3A_104 = vector.shape_cast %get3A_103 : vector<16xf32> to vector<16xf32>
    %add3A_105 = arith.addf %get3A_101, %get3A_104 : vector<16xf32>
    %add3A_106 = vector.broadcast %squeeze3A : f32 to vector<16xf32>
    %add3A_107 = arith.addf %add3A_105, %add3A_106 : vector<16xf32>
    %swap3A_108 = arith.constant 80 : index
    %swap3A_109 = tpu.vector_load %arg10[%swap3A_108] {strides = array<i32>} : memref<512xf32, #tpu.memory_space<vmem>>, vector<16xf32>,
    %swap3A_110 = vector.shape_cast %swap3A_109 : vector<16xf32> to vector<16xf32>
    %swap3A_111 = vector.shape_cast %add3A_107 : vector<16xf32> to vector<16xf32>
    tpu.vector_store %arg10[%swap3A_108], %swap3A_111 {strides = array<i32>} : memref<512xf32, #tpu.memory_space<vmem>>, vector<16xf32>,
    %get3A_112 = arith.constant 96 : index
    %get3A_113 = tpu.vector_load %arg10[%get3A_112] {strides = array<i32>} : memref<512xf32, #tpu.memory_space<vmem>>, vector<16xf32>,
    %get3A_114 = vector.shape_cast %get3A_113 : vector<16xf32> to vector<16xf32>
    %get3A_115 = arith.constant 96 : index
    %get3A_116 = tpu.vector_load %arg11[%get3A_115] {strides = array<i32>} : memref<512xf32, #tpu.memory_space<vmem>>, vector<16xf32>,
    %get3A_117 = vector.shape_cast %get3A_116 : vector<16xf32> to vector<16xf32>
    %add3A_118 = arith.addf %get3A_114, %get3A_117 : vector<16xf32>
    %add3A_119 = vector.broadcast %squeeze3A : f32 to vector<16xf32>
    %add3A_120 = arith.addf %add3A_118, %add3A_119 : vector<16xf32>
    %swap3A_121 = arith.constant 96 : index
    %swap3A_122 = tpu.vector_load %arg10[%swap3A_121] {strides = array<i32>} : memref<512xf32, #tpu.memory_space<vmem>>, vector<16xf32>,
    %swap3A_123 = vector.shape_cast %swap3A_122 : vector<16xf32> to vector<16xf32>
    %swap3A_124 = vector.shape_cast %add3A_120 : vector<16xf32> to vector<16xf32>
    tpu.vector_store %arg10[%swap3A_121], %swap3A_124 {strides = array<i32>} : memref<512xf32, #tpu.memory_space<vmem>>, vector<16xf32>,
    %get3A_125 = arith.constant 112 : index
    %get3A_126 = tpu.vector_load %arg10[%get3A_125] {strides = array<i32>} : memref<512xf32, #tpu.memory_space<vmem>>, vector<16xf32>,
    %get3A_127 = vector.shape_cast %get3A_126 : vector<16xf32> to vector<16xf32>
    %get3A_128 = arith.constant 112 : index
    %get3A_129 = tpu.vector_load %arg11[%get3A_128] {strides = array<i32>} : memref<512xf32, #tpu.memory_space<vmem>>, vector<16xf32>,
    %get3A_130 = vector.shape_cast %get3A_129 : vector<16xf32> to vector<16xf32>
    %add3A_131 = arith.addf %get3A_127, %get3A_130 : vector<16xf32>
    %add3A_132 = vector.broadcast %squeeze3A : f32 to vector<16xf32>
    %add3A_133 = arith.addf %add3A_131, %add3A_132 : vector<16xf32>
    %swap3A_134 = arith.constant 112 : index
    %swap3A_135 = tpu.vector_load %arg10[%swap3A_134] {strides = array<i32>} : memref<512xf32, #tpu.memory_space<vmem>>, vector<16xf32>,
    %swap3A_136 = vector.shape_cast %swap3A_135 : vector<16xf32> to vector<16xf32>
    %swap3A_137 = vector.shape_cast %add3A_133 : vector<16xf32> to vector<16xf32>
    tpu.vector_store %arg10[%swap3A_134], %swap3A_137 {strides = array<i32>} : memref<512xf32, #tpu.memory_space<vmem>>, vector<16xf32>,
    %get3A_138 = arith.constant 128 : index
    %get3A_139 = tpu.vector_load %arg10[%get3A_138] {strides = array<i32>} : memref<512xf32, #tpu.memory_space<vmem>>, vector<16xf32>,
    %get3A_140 = vector.shape_cast %get3A_139 : vector<16xf32> to vector<16xf32>
    %get3A_141 = arith.constant 128 : index
    %get3A_142 = tpu.vector_load %arg11[%get3A_141] {strides = array<i32>} : memref<512xf32, #tpu.memory_space<vmem>>, vector<16xf32>,
    %get3A_143 = vector.shape_cast %get3A_142 : vector<16xf32> to vector<16xf32>
    %add3A_144 = arith.addf %get3A_140, %get3A_143 : vector<16xf32>
    %add3A_145 = vector.broadcast %squeeze3A : f32 to vector<16xf32>
    %add3A_146 = arith.addf %add3A_144, %add3A_145 : vector<16xf32>
    %swap3A_147 = arith.constant 128 : index
    %swap3A_148 = tpu.vector_load %arg10[%swap3A_147] {strides = array<i32>} : memref<512xf32, #tpu.memory_space<vmem>>, vector<16xf32>,
    %swap3A_149 = vector.shape_cast %swap3A_148 : vector<16xf32> to vector<16xf32>
    %swap3A_150 = vector.shape_cast %add3A_146 : vector<16xf32> to vector<16xf32>
    tpu.vector_store %arg10[%swap3A_147], %swap3A_150 {strides = array<i32>} : memref<512xf32, #tpu.memory_space<vmem>>, vector<16xf32>,
    %get3A_151 = arith.constant 144 : index
    %get3A_152 = tpu.vector_load %arg10[%get3A_151] {strides = array<i32>} : memref<512xf32, #tpu.memory_space<vmem>>, vector<16xf32>,
    %get3A_153 = vector.shape_cast %get3A_152 : vector<16xf32> to vector<16xf32>
    %get3A_154 = arith.constant 144 : index
    %get3A_155 = tpu.vector_load %arg11[%get3A_154] {strides = array<i32>} : memref<512xf32, #tpu.memory_space<vmem>>, vector<16xf32>,
    %get3A_156 = vector.shape_cast %get3A_155 : vector<16xf32> to vector<16xf32>
    %add3A_157 = arith.addf %get3A_153, %get3A_156 : vector<16xf32>
    %add3A_158 = vector.broadcast %squeeze3A : f32 to vector<16xf32>
    %add3A_159 = arith.addf %add3A_157, %add3A_158 : vector<16xf32>
    %swap3A_160 = arith.constant 144 : index
    %swap3A_161 = tpu.vector_load %arg10[%swap3A_160] {strides = array<i32>} : memref<512xf32, #tpu.memory_space<vmem>>, vector<16xf32>,
    %swap3A_162 = vector.shape_cast %swap3A_161 : vector<16xf32> to vector<16xf32>
    %swap3A_163 = vector.shape_cast %add3A_159 : vector<16xf32> to vector<16xf32>
    tpu.vector_store %arg10[%swap3A_160], %swap3A_163 {strides = array<i32>} : memref<512xf32, #tpu.memory_space<vmem>>, vector<16xf32>,
    %get3A_164 = arith.constant 160 : index
    %get3A_165 = tpu.vector_load %arg10[%get3A_164] {strides = array<i32>} : memref<512xf32, #tpu.memory_space<vmem>>, vector<16xf32>,
    %get3A_166 = vector.shape_cast %get3A_165 : vector<16xf32> to vector<16xf32>
    %get3A_167 = arith.constant 160 : index
    %get3A_168 = tpu.vector_load %arg11[%get3A_167] {strides = array<i32>} : memref<512xf32, #tpu.memory_space<vmem>>, vector<16xf32>,
    %get3A_169 = vector.shape_cast %get3A_168 : vector<16xf32> to vector<16xf32>
    %add3A_170 = arith.addf %get3A_166, %get3A_169 : vector<16xf32>
    %add3A_171 = vector.broadcast %squeeze3A : f32 to vector<16xf32>
    %add3A_172 = arith.addf %add3A_170, %add3A_171 : vector<16xf32>
    %swap3A_173 = arith.constant 160 : index
    %swap3A_174 = tpu.vector_load %arg10[%swap3A_173] {strides = array<i32>} : memref<512xf32, #tpu.memory_space<vmem>>, vector<16xf32>,
    %swap3A_175 = vector.shape_cast %swap3A_174 : vector<16xf32> to vector<16xf32>
    %swap3A_176 = vector.shape_cast %add3A_172 : vector<16xf32> to vector<16xf32>
    tpu.vector_store %arg10[%swap3A_173], %swap3A_176 {strides = array<i32>} : memref<512xf32, #tpu.memory_space<vmem>>, vector<16xf32>,
    %get3A_177 = arith.constant 176 : index
    %get3A_178 = tpu.vector_load %arg10[%get3A_177] {strides = array<i32>} : memref<512xf32, #tpu.memory_space<vmem>>, vector<16xf32>,
    %get3A_179 = vector.shape_cast %get3A_178 : vector<16xf32> to vector<16xf32>
    %get3A_180 = arith.constant 176 : index
    %get3A_181 = tpu.vector_load %arg11[%get3A_180] {strides = array<i32>} : memref<512xf32, #tpu.memory_space<vmem>>, vector<16xf32>,
    %get3A_182 = vector.shape_cast %get3A_181 : vector<16xf32> to vector<16xf32>
    %add3A_183 = arith.addf %get3A_179, %get3A_182 : vector<16xf32>
    %add3A_184 = vector.broadcast %squeeze3A : f32 to vector<16xf32>
    %add3A_185 = arith.addf %add3A_183, %add3A_184 : vector<16xf32>
    %swap3A_186 = arith.constant 176 : index
    %swap3A_187 = tpu.vector_load %arg10[%swap3A_186] {strides = array<i32>} : memref<512xf32, #tpu.memory_space<vmem>>, vector<16xf32>,
    %swap3A_188 = vector.shape_cast %swap3A_187 : vector<16xf32> to vector<16xf32>
    %swap3A_189 = vector.shape_cast %add3A_185 : vector<16xf32> to vector<16xf32>
    tpu.vector_store %arg10[%swap3A_186], %swap3A_189 {strides = array<i32>} : memref<512xf32, #tpu.memory_space<vmem>>, vector<16xf32>,
    %get3A_190 = arith.constant 192 : index
    %get3A_191 = tpu.vector_load %arg10[%get3A_190] {strides = array<i32>} : memref<512xf32, #tpu.memory_space<vmem>>, vector<16xf32>,
    %get3A_192 = vector.shape_cast %get3A_191 : vector<16xf32> to vector<16xf32>
    %get3A_193 = arith.constant 192 : index
    %get3A_194 = tpu.vector_load %arg11[%get3A_193] {strides = array<i32>} : memref<512xf32, #tpu.memory_space<vmem>>, vector<16xf32>,
    %get3A_195 = vector.shape_cast %get3A_194 : vector<16xf32> to vector<16xf32>
    %add3A_196 = arith.addf %get3A_192, %get3A_195 : vector<16xf32>
    %add3A_197 = vector.broadcast %squeeze3A : f32 to vector<16xf32>
    %add3A_198 = arith.addf %add3A_196, %add3A_197 : vector<16xf32>
    %swap3A_199 = arith.constant 192 : index
    %swap3A_200 = tpu.vector_load %arg10[%swap3A_199] {strides = array<i32>} : memref<512xf32, #tpu.memory_space<vmem>>, vector<16xf32>,
    %swap3A_201 = vector.shape_cast %swap3A_200 : vector<16xf32> to vector<16xf32>
    %swap3A_202 = vector.shape_cast %add3A_198 : vector<16xf32> to vector<16xf32>
    tpu.vector_store %arg10[%swap3A_199], %swap3A_202 {strides = array<i32>} : memref<512xf32, #tpu.memory_space<vmem>>, vector<16xf32>,
    %get3A_203 = arith.constant 208 : index
    %get3A_204 = tpu.vector_load %arg10[%get3A_203] {strides = array<i32>} : memref<512xf32, #tpu.memory_space<vmem>>, vector<16xf32>,
    %get3A_205 = vector.shape_cast %get3A_204 : vector<16xf32> to vector<16xf32>
    %get3A_206 = arith.constant 208 : index
    %get3A_207 = tpu.vector_load %arg11[%get3A_206] {strides = array<i32>} : memref<512xf32, #tpu.memory_space<vmem>>, vector<16xf32>,
    %get3A_208 = vector.shape_cast %get3A_207 : vector<16xf32> to vector<16xf32>
    %add3A_209 = arith.addf %get3A_205, %get3A_208 : vector<16xf32>
    %add3A_210 = vector.broadcast %squeeze3A : f32 to vector<16xf32>
    %add3A_211 = arith.addf %add3A_209, %add3A_210 : vector<16xf32>
    %swap3A_212 = arith.constant 208 : index
    %swap3A_213 = tpu.vector_load %arg10[%swap3A_212] {strides = array<i32>} : memref<512xf32, #tpu.memory_space<vmem>>, vector<16xf32>,
    %swap3A_214 = vector.shape_cast %swap3A_213 : vector<16xf32> to vector<16xf32>
    %swap3A_215 = vector.shape_cast %add3A_211 : vector<16xf32> to vector<16xf32>
    tpu.vector_store %arg10[%swap3A_212], %swap3A_215 {strides = array<i32>} : memref<512xf32, #tpu.memory_space<vmem>>, vector<16xf32>,
    %get3A_216 = arith.constant 224 : index
    %get3A_217 = tpu.vector_load %arg10[%get3A_216] {strides = array<i32>} : memref<512xf32, #tpu.memory_space<vmem>>, vector<16xf32>,
    %get3A_218 = vector.shape_cast %get3A_217 : vector<16xf32> to vector<16xf32>
    %get3A_219 = arith.constant 224 : index
    %get3A_220 = tpu.vector_load %arg11[%get3A_219] {strides = array<i32>} : memref<512xf32, #tpu.memory_space<vmem>>, vector<16xf32>,
    %get3A_221 = vector.shape_cast %get3A_220 : vector<16xf32> to vector<16xf32>
    %add3A_222 = arith.addf %get3A_218, %get3A_221 : vector<16xf32>
    %add3A_223 = vector.broadcast %squeeze3A : f32 to vector<16xf32>
    %add3A_224 = arith.addf %add3A_222, %add3A_223 : vector<16xf32>
    %swap3A_225 = arith.constant 224 : index
    %swap3A_226 = tpu.vector_load %arg10[%swap3A_225] {strides = array<i32>} : memref<512xf32, #tpu.memory_space<vmem>>, vector<16xf32>,
    %swap3A_227 = vector.shape_cast %swap3A_226 : vector<16xf32> to vector<16xf32>
    %swap3A_228 = vector.shape_cast %add3A_224 : vector<16xf32> to vector<16xf32>
    tpu.vector_store %arg10[%swap3A_225], %swap3A_228 {strides = array<i32>} : memref<512xf32, #tpu.memory_space<vmem>>, vector<16xf32>,
    %get3A_229 = arith.constant 240 : index
    %get3A_230 = tpu.vector_load %arg10[%get3A_229] {strides = array<i32>} : memref<512xf32, #tpu.memory_space<vmem>>, vector<16xf32>,
    %get3A_231 = vector.shape_cast %get3A_230 : vector<16xf32> to vector<16xf32>
    %get3A_232 = arith.constant 240 : index
    %get3A_233 = tpu.vector_load %arg11[%get3A_232] {strides = array<i32>} : memref<512xf32, #tpu.memory_space<vmem>>, vector<16xf32>,
    %get3A_234 = vector.shape_cast %get3A_233 : vector<16xf32> to vector<16xf32>
    %add3A_235 = arith.addf %get3A_231, %get3A_234 : vector<16xf32>
    %add3A_236 = vector.broadcast %squeeze3A : f32 to vector<16xf32>
    %add3A_237 = arith.addf %add3A_235, %add3A_236 : vector<16xf32>
    %swap3A_238 = arith.constant 240 : index
    %swap3A_239 = tpu.vector_load %arg10[%swap3A_238] {strides = array<i32>} : memref<512xf32, #tpu.memory_space<vmem>>, vector<16xf32>,
    %swap3A_240 = vector.shape_cast %swap3A_239 : vector<16xf32> to vector<16xf32>
    %swap3A_241 = vector.shape_cast %add3A_237 : vector<16xf32> to vector<16xf32>
    tpu.vector_store %arg10[%swap3A_238], %swap3A_241 {strides = array<i32>} : memref<512xf32, #tpu.memory_space<vmem>>, vector<16xf32>,
    %get3A_242 = arith.constant 256 : index
    %get3A_243 = tpu.vector_load %arg10[%get3A_242] {strides = array<i32>} : memref<512xf32, #tpu.memory_space<vmem>>, vector<16xf32>,
    %get3A_244 = vector.shape_cast %get3A_243 : vector<16xf32> to vector<16xf32>
    %get3A_245 = arith.constant 256 : index
    %get3A_246 = tpu.vector_load %arg11[%get3A_245] {strides = array<i32>} : memref<512xf32, #tpu.memory_space<vmem>>, vector<16xf32>,
    %get3A_247 = vector.shape_cast %get3A_246 : vector<16xf32> to vector<16xf32>
    %add3A_248 = arith.addf %get3A_244, %get3A_247 : vector<16xf32>
    %add3A_249 = vector.broadcast %squeeze3A : f32 to vector<16xf32>
    %add3A_250 = arith.addf %add3A_248, %add3A_249 : vector<16xf32>
    %swap3A_251 = arith.constant 256 : index
    %swap3A_252 = tpu.vector_load %arg10[%swap3A_251] {strides = array<i32>} : memref<512xf32, #tpu.memory_space<vmem>>, vector<16xf32>,
    %swap3A_253 = vector.shape_cast %swap3A_252 : vector<16xf32> to vector<16xf32>
    %swap3A_254 = vector.shape_cast %add3A_250 : vector<16xf32> to vector<16xf32>
    tpu.vector_store %arg10[%swap3A_251], %swap3A_254 {strides = array<i32>} : memref<512xf32, #tpu.memory_space<vmem>>, vector<16xf32>,
    %get3A_255 = arith.constant 272 : index
    %get3A_256 = tpu.vector_load %arg10[%get3A_255] {strides = array<i32>} : memref<512xf32, #tpu.memory_space<vmem>>, vector<16xf32>,
    %get3A_257 = vector.shape_cast %get3A_256 : vector<16xf32> to vector<16xf32>
    %get3A_258 = arith.constant 272 : index
    %get3A_259 = tpu.vector_load %arg11[%get3A_258] {strides = array<i32>} : memref<512xf32, #tpu.memory_space<vmem>>, vector<16xf32>,
    %get3A_260 = vector.shape_cast %get3A_259 : vector<16xf32> to vector<16xf32>
    %add3A_261 = arith.addf %get3A_257, %get3A_260 : vector<16xf32>
    %add3A_262 = vector.broadcast %squeeze3A : f32 to vector<16xf32>
    %add3A_263 = arith.addf %add3A_261, %add3A_262 : vector<16xf32>
    %swap3A_264 = arith.constant 272 : index
    %swap3A_265 = tpu.vector_load %arg10[%swap3A_264] {strides = array<i32>} : memref<512xf32, #tpu.memory_space<vmem>>, vector<16xf32>,
    %swap3A_266 = vector.shape_cast %swap3A_265 : vector<16xf32> to vector<16xf32>
    %swap3A_267 = vector.shape_cast %add3A_263 : vector<16xf32> to vector<16xf32>
    tpu.vector_store %arg10[%swap3A_264], %swap3A_267 {strides = array<i32>} : memref<512xf32, #tpu.memory_space<vmem>>, vector<16xf32>,
    %get3A_268 = arith.constant 288 : index
    %get3A_269 = tpu.vector_load %arg10[%get3A_268] {strides = array<i32>} : memref<512xf32, #tpu.memory_space<vmem>>, vector<16xf32>,
    %get3A_270 = vector.shape_cast %get3A_269 : vector<16xf32> to vector<16xf32>
    %get3A_271 = arith.constant 288 : index
    %get3A_272 = tpu.vector_load %arg11[%get3A_271] {strides = array<i32>} : memref<512xf32, #tpu.memory_space<vmem>>, vector<16xf32>,
    %get3A_273 = vector.shape_cast %get3A_272 : vector<16xf32> to vector<16xf32>
    %add3A_274 = arith.addf %get3A_270, %get3A_273 : vector<16xf32>
    %add3A_275 = vector.broadcast %squeeze3A : f32 to vector<16xf32>
    %add3A_276 = arith.addf %add3A_274, %add3A_275 : vector<16xf32>
    %swap3A_277 = arith.constant 288 : index
    %swap3A_278 = tpu.vector_load %arg10[%swap3A_277] {strides = array<i32>} : memref<512xf32, #tpu.memory_space<vmem>>, vector<16xf32>,
    %swap3A_279 = vector.shape_cast %swap3A_278 : vector<16xf32> to vector<16xf32>
    %swap3A_280 = vector.shape_cast %add3A_276 : vector<16xf32> to vector<16xf32>
    tpu.vector_store %arg10[%swap3A_277], %swap3A_280 {strides = array<i32>} : memref<512xf32, #tpu.memory_space<vmem>>, vector<16xf32>,
    %get3A_281 = arith.constant 304 : index
    %get3A_282 = tpu.vector_load %arg10[%get3A_281] {strides = array<i32>} : memref<512xf32, #tpu.memory_space<vmem>>, vector<16xf32>,
    %get3A_283 = vector.shape_cast %get3A_282 : vector<16xf32> to vector<16xf32>
    %get3A_284 = arith.constant 304 : index
    %get3A_285 = tpu.vector_load %arg11[%get3A_284] {strides = array<i32>} : memref<512xf32, #tpu.memory_space<vmem>>, vector<16xf32>,
    %get3A_286 = vector.shape_cast %get3A_285 : vector<16xf32> to vector<16xf32>
    %add3A_287 = arith.addf %get3A_283, %get3A_286 : vector<16xf32>
    %add3A_288 = vector.broadcast %squeeze3A : f32 to vector<16xf32>
    %add3A_289 = arith.addf %add3A_287, %add3A_288 : vector<16xf32>
    %swap3A_290 = arith.constant 304 : index
    %swap3A_291 = tpu.vector_load %arg10[%swap3A_290] {strides = array<i32>} : memref<512xf32, #tpu.memory_space<vmem>>, vector<16xf32>,
    %swap3A_292 = vector.shape_cast %swap3A_291 : vector<16xf32> to vector<16xf32>
    %swap3A_293 = vector.shape_cast %add3A_289 : vector<16xf32> to vector<16xf32>
    tpu.vector_store %arg10[%swap3A_290], %swap3A_293 {strides = array<i32>} : memref<512xf32, #tpu.memory_space<vmem>>, vector<16xf32>,
    %get3A_294 = arith.constant 320 : index
    %get3A_295 = tpu.vector_load %arg10[%get3A_294] {strides = array<i32>} : memref<512xf32, #tpu.memory_space<vmem>>, vector<16xf32>,
    %get3A_296 = vector.shape_cast %get3A_295 : vector<16xf32> to vector<16xf32>
    %get3A_297 = arith.constant 320 : index
    %get3A_298 = tpu.vector_load %arg11[%get3A_297] {strides = array<i32>} : memref<512xf32, #tpu.memory_space<vmem>>, vector<16xf32>,
    %get3A_299 = vector.shape_cast %get3A_298 : vector<16xf32> to vector<16xf32>
    %add3A_300 = arith.addf %get3A_296, %get3A_299 : vector<16xf32>
    %add3A_301 = vector.broadcast %squeeze3A : f32 to vector<16xf32>
    %add3A_302 = arith.addf %add3A_300, %add3A_301 : vector<16xf32>
    %swap3A_303 = arith.constant 320 : index
    %swap3A_304 = tpu.vector_load %arg10[%swap3A_303] {strides = array<i32>} : memref<512xf32, #tpu.memory_space<vmem>>, vector<16xf32>,
    %swap3A_305 = vector.shape_cast %swap3A_304 : vector<16xf32> to vector<16xf32>
    %swap3A_306 = vector.shape_cast %add3A_302 : vector<16xf32> to vector<16xf32>
    tpu.vector_store %arg10[%swap3A_303], %swap3A_306 {strides = array<i32>} : memref<512xf32, #tpu.memory_space<vmem>>, vector<16xf32>,
    %get3A_307 = arith.constant 336 : index
    %get3A_308 = tpu.vector_load %arg10[%get3A_307] {strides = array<i32>} : memref<512xf32, #tpu.memory_space<vmem>>, vector<16xf32>,
    %get3A_309 = vector.shape_cast %get3A_308 : vector<16xf32> to vector<16xf32>
    %get3A_310 = arith.constant 336 : index
    %get3A_311 = tpu.vector_load %arg11[%get3A_310] {strides = array<i32>} : memref<512xf32, #tpu.memory_space<vmem>>, vector<16xf32>,
    %get3A_312 = vector.shape_cast %get3A_311 : vector<16xf32> to vector<16xf32>
    %add3A_313 = arith.addf %get3A_309, %get3A_312 : vector<16xf32>
    %add3A_314 = vector.broadcast %squeeze3A : f32 to vector<16xf32>
    %add3A_315 = arith.addf %add3A_313, %add3A_314 : vector<16xf32>
    %swap3A_316 = arith.constant 336 : index
    %swap3A_317 = tpu.vector_load %arg10[%swap3A_316] {strides = array<i32>} : memref<512xf32, #tpu.memory_space<vmem>>, vector<16xf32>,
    %swap3A_318 = vector.shape_cast %swap3A_317 : vector<16xf32> to vector<16xf32>
    %swap3A_319 = vector.shape_cast %add3A_315 : vector<16xf32> to vector<16xf32>
    tpu.vector_store %arg10[%swap3A_316], %swap3A_319 {strides = array<i32>} : memref<512xf32, #tpu.memory_space<vmem>>, vector<16xf32>,
    %get3A_320 = arith.constant 352 : index
    %get3A_321 = tpu.vector_load %arg10[%get3A_320] {strides = array<i32>} : memref<512xf32, #tpu.memory_space<vmem>>, vector<16xf32>,
    %get3A_322 = vector.shape_cast %get3A_321 : vector<16xf32> to vector<16xf32>
    %get3A_323 = arith.constant 352 : index
    %get3A_324 = tpu.vector_load %arg11[%get3A_323] {strides = array<i32>} : memref<512xf32, #tpu.memory_space<vmem>>, vector<16xf32>,
    %get3A_325 = vector.shape_cast %get3A_324 : vector<16xf32> to vector<16xf32>
    %add3A_326 = arith.addf %get3A_322, %get3A_325 : vector<16xf32>
    %add3A_327 = vector.broadcast %squeeze3A : f32 to vector<16xf32>
    %add3A_328 = arith.addf %add3A_326, %add3A_327 : vector<16xf32>
    %swap3A_329 = arith.constant 352 : index
    %swap3A_330 = tpu.vector_load %arg10[%swap3A_329] {strides = array<i32>} : memref<512xf32, #tpu.memory_space<vmem>>, vector<16xf32>,
    %swap3A_331 = vector.shape_cast %swap3A_330 : vector<16xf32> to vector<16xf32>
    %swap3A_332 = vector.shape_cast %add3A_328 : vector<16xf32> to vector<16xf32>
    tpu.vector_store %arg10[%swap3A_329], %swap3A_332 {strides = array<i32>} : memref<512xf32, #tpu.memory_space<vmem>>, vector<16xf32>,
    %get3A_333 = arith.constant 368 : index
    %get3A_334 = tpu.vector_load %arg10[%get3A_333] {strides = array<i32>} : memref<512xf32, #tpu.memory_space<vmem>>, vector<16xf32>,
    %get3A_335 = vector.shape_cast %get3A_334 : vector<16xf32> to vector<16xf32>
    %get3A_336 = arith.constant 368 : index
    %get3A_337 = tpu.vector_load %arg11[%get3A_336] {strides = array<i32>} : memref<512xf32, #tpu.memory_space<vmem>>, vector<16xf32>,
    %get3A_338 = vector.shape_cast %get3A_337 : vector<16xf32> to vector<16xf32>
    %add3A_339 = arith.addf %get3A_335, %get3A_338 : vector<16xf32>
    %add3A_340 = vector.broadcast %squeeze3A : f32 to vector<16xf32>
    %add3A_341 = arith.addf %add3A_339, %add3A_340 : vector<16xf32>
    %swap3A_342 = arith.constant 368 : index
    %swap3A_343 = tpu.vector_load %arg10[%swap3A_342] {strides = array<i32>} : memref<512xf32, #tpu.memory_space<vmem>>, vector<16xf32>,
    %swap3A_344 = vector.shape_cast %swap3A_343 : vector<16xf32> to vector<16xf32>
    %swap3A_345 = vector.shape_cast %add3A_341 : vector<16xf32> to vector<16xf32>
    tpu.vector_store %arg10[%swap3A_342], %swap3A_345 {strides = array<i32>} : memref<512xf32, #tpu.memory_space<vmem>>, vector<16xf32>,
    %get3A_346 = arith.constant 384 : index
    %get3A_347 = tpu.vector_load %arg10[%get3A_346] {strides = array<i32>} : memref<512xf32, #tpu.memory_space<vmem>>, vector<16xf32>,
    %get3A_348 = vector.shape_cast %get3A_347 : vector<16xf32> to vector<16xf32>
    %get3A_349 = arith.constant 384 : index
    %get3A_350 = tpu.vector_load %arg11[%get3A_349] {strides = array<i32>} : memref<512xf32, #tpu.memory_space<vmem>>, vector<16xf32>,
    %get3A_351 = vector.shape_cast %get3A_350 : vector<16xf32> to vector<16xf32>
    %add3A_352 = arith.addf %get3A_348, %get3A_351 : vector<16xf32>
    %add3A_353 = vector.broadcast %squeeze3A : f32 to vector<16xf32>
    %add3A_354 = arith.addf %add3A_352, %add3A_353 : vector<16xf32>
    %swap3A_355 = arith.constant 384 : index
    %swap3A_356 = tpu.vector_load %arg10[%swap3A_355] {strides = array<i32>} : memref<512xf32, #tpu.memory_space<vmem>>, vector<16xf32>,
    %swap3A_357 = vector.shape_cast %swap3A_356 : vector<16xf32> to vector<16xf32>
    %swap3A_358 = vector.shape_cast %add3A_354 : vector<16xf32> to vector<16xf32>
    tpu.vector_store %arg10[%swap3A_355], %swap3A_358 {strides = array<i32>} : memref<512xf32, #tpu.memory_space<vmem>>, vector<16xf32>,
    %get3A_359 = arith.constant 400 : index
    %get3A_360 = tpu.vector_load %arg10[%get3A_359] {strides = array<i32>} : memref<512xf32, #tpu.memory_space<vmem>>, vector<16xf32>,
    %get3A_361 = vector.shape_cast %get3A_360 : vector<16xf32> to vector<16xf32>
    %get3A_362 = arith.constant 400 : index
    %get3A_363 = tpu.vector_load %arg11[%get3A_362] {strides = array<i32>} : memref<512xf32, #tpu.memory_space<vmem>>, vector<16xf32>,
    %get3A_364 = vector.shape_cast %get3A_363 : vector<16xf32> to vector<16xf32>
    %add3A_365 = arith.addf %get3A_361, %get3A_364 : vector<16xf32>
    %add3A_366 = vector.broadcast %squeeze3A : f32 to vector<16xf32>
    %add3A_367 = arith.addf %add3A_365, %add3A_366 : vector<16xf32>
    %swap3A_368 = arith.constant 400 : index
    %swap3A_369 = tpu.vector_load %arg10[%swap3A_368] {strides = array<i32>} : memref<512xf32, #tpu.memory_space<vmem>>, vector<16xf32>,
    %swap3A_370 = vector.shape_cast %swap3A_369 : vector<16xf32> to vector<16xf32>
    %swap3A_371 = vector.shape_cast %add3A_367 : vector<16xf32> to vector<16xf32>
    tpu.vector_store %arg10[%swap3A_368], %swap3A_371 {strides = array<i32>} : memref<512xf32, #tpu.memory_space<vmem>>, vector<16xf32>,
    %get3A_372 = arith.constant 416 : index
    %get3A_373 = tpu.vector_load %arg10[%get3A_372] {strides = array<i32>} : memref<512xf32, #tpu.memory_space<vmem>>, vector<16xf32>,
    %get3A_374 = vector.shape_cast %get3A_373 : vector<16xf32> to vector<16xf32>
    %get3A_375 = arith.constant 416 : index
    %get3A_376 = tpu.vector_load %arg11[%get3A_375] {strides = array<i32>} : memref<512xf32, #tpu.memory_space<vmem>>, vector<16xf32>,
    %get3A_377 = vector.shape_cast %get3A_376 : vector<16xf32> to vector<16xf32>
    %add3A_378 = arith.addf %get3A_374, %get3A_377 : vector<16xf32>
    %add3A_379 = vector.broadcast %squeeze3A : f32 to vector<16xf32>
    %add3A_380 = arith.addf %add3A_378, %add3A_379 : vector<16xf32>
    %swap3A_381 = arith.constant 416 : index
    %swap3A_382 = tpu.vector_load %arg10[%swap3A_381] {strides = array<i32>} : memref<512xf32, #tpu.memory_space<vmem>>, vector<16xf32>,
    %swap3A_383 = vector.shape_cast %swap3A_382 : vector<16xf32> to vector<16xf32>
    %swap3A_384 = vector.shape_cast %add3A_380 : vector<16xf32> to vector<16xf32>
    tpu.vector_store %arg10[%swap3A_381], %swap3A_384 {strides = array<i32>} : memref<512xf32, #tpu.memory_space<vmem>>, vector<16xf32>,
    %get3A_385 = arith.constant 432 : index
    %get3A_386 = tpu.vector_load %arg10[%get3A_385] {strides = array<i32>} : memref<512xf32, #tpu.memory_space<vmem>>, vector<16xf32>,
    %get3A_387 = vector.shape_cast %get3A_386 : vector<16xf32> to vector<16xf32>
    %get3A_388 = arith.constant 432 : index
    %get3A_389 = tpu.vector_load %arg11[%get3A_388] {strides = array<i32>} : memref<512xf32, #tpu.memory_space<vmem>>, vector<16xf32>,
    %get3A_390 = vector.shape_cast %get3A_389 : vector<16xf32> to vector<16xf32>
    %add3A_391 = arith.addf %get3A_387, %get3A_390 : vector<16xf32>
    %add3A_392 = vector.broadcast %squeeze3A : f32 to vector<16xf32>
    %add3A_393 = arith.addf %add3A_391, %add3A_392 : vector<16xf32>
    %swap3A_394 = arith.constant 432 : index
    %swap3A_395 = tpu.vector_load %arg10[%swap3A_394] {strides = array<i32>} : memref<512xf32, #tpu.memory_space<vmem>>, vector<16xf32>,
    %swap3A_396 = vector.shape_cast %swap3A_395 : vector<16xf32> to vector<16xf32>
    %swap3A_397 = vector.shape_cast %add3A_393 : vector<16xf32> to vector<16xf32>
    tpu.vector_store %arg10[%swap3A_394], %swap3A_397 {strides = array<i32>} : memref<512xf32, #tpu.memory_space<vmem>>, vector<16xf32>,
    %get3A_398 = arith.constant 448 : index
    %get3A_399 = tpu.vector_load %arg10[%get3A_398] {strides = array<i32>} : memref<512xf32, #tpu.memory_space<vmem>>, vector<16xf32>,
    %get3A_400 = vector.shape_cast %get3A_399 : vector<16xf32> to vector<16xf32>
    %get3A_401 = arith.constant 448 : index
    %get3A_402 = tpu.vector_load %arg11[%get3A_401] {strides = array<i32>} : memref<512xf32, #tpu.memory_space<vmem>>, vector<16xf32>,
    %get3A_403 = vector.shape_cast %get3A_402 : vector<16xf32> to vector<16xf32>
    %add3A_404 = arith.addf %get3A_400, %get3A_403 : vector<16xf32>
    %add3A_405 = vector.broadcast %squeeze3A : f32 to vector<16xf32>
    %add3A_406 = arith.addf %add3A_404, %add3A_405 : vector<16xf32>
    %swap3A_407 = arith.constant 448 : index
    %swap3A_408 = tpu.vector_load %arg10[%swap3A_407] {strides = array<i32>} : memref<512xf32, #tpu.memory_space<vmem>>, vector<16xf32>,
    %swap3A_409 = vector.shape_cast %swap3A_408 : vector<16xf32> to vector<16xf32>
    %swap3A_410 = vector.shape_cast %add3A_406 : vector<16xf32> to vector<16xf32>
    tpu.vector_store %arg10[%swap3A_407], %swap3A_410 {strides = array<i32>} : memref<512xf32, #tpu.memory_space<vmem>>, vector<16xf32>,
    %get3A_411 = arith.constant 464 : index
    %get3A_412 = tpu.vector_load %arg10[%get3A_411] {strides = array<i32>} : memref<512xf32, #tpu.memory_space<vmem>>, vector<16xf32>,
    %get3A_413 = vector.shape_cast %get3A_412 : vector<16xf32> to vector<16xf32>
    %get3A_414 = arith.constant 464 : index
    %get3A_415 = tpu.vector_load %arg11[%get3A_414] {strides = array<i32>} : memref<512xf32, #tpu.memory_space<vmem>>, vector<16xf32>,
    %get3A_416 = vector.shape_cast %get3A_415 : vector<16xf32> to vector<16xf32>
    %add3A_417 = arith.addf %get3A_413, %get3A_416 : vector<16xf32>
    %add3A_418 = vector.broadcast %squeeze3A : f32 to vector<16xf32>
    %add3A_419 = arith.addf %add3A_417, %add3A_418 : vector<16xf32>
    %swap3A_420 = arith.constant 464 : index
    %swap3A_421 = tpu.vector_load %arg10[%swap3A_420] {strides = array<i32>} : memref<512xf32, #tpu.memory_space<vmem>>, vector<16xf32>,
    %swap3A_422 = vector.shape_cast %swap3A_421 : vector<16xf32> to vector<16xf32>
    %swap3A_423 = vector.shape_cast %add3A_419 : vector<16xf32> to vector<16xf32>
    tpu.vector_store %arg10[%swap3A_420], %swap3A_423 {strides = array<i32>} : memref<512xf32, #tpu.memory_space<vmem>>, vector<16xf32>,
    %get3A_424 = arith.constant 480 : index
    %get3A_425 = tpu.vector_load %arg10[%get3A_424] {strides = array<i32>} : memref<512xf32, #tpu.memory_space<vmem>>, vector<16xf32>,
    %get3A_426 = vector.shape_cast %get3A_425 : vector<16xf32> to vector<16xf32>
    %get3A_427 = arith.constant 480 : index
    %get3A_428 = tpu.vector_load %arg11[%get3A_427] {strides = array<i32>} : memref<512xf32, #tpu.memory_space<vmem>>, vector<16xf32>,
    %get3A_429 = vector.shape_cast %get3A_428 : vector<16xf32> to vector<16xf32>
    %add3A_430 = arith.addf %get3A_426, %get3A_429 : vector<16xf32>
    %add3A_431 = vector.broadcast %squeeze3A : f32 to vector<16xf32>
    %add3A_432 = arith.addf %add3A_430, %add3A_431 : vector<16xf32>
    %swap3A_433 = arith.constant 480 : index
    %swap3A_434 = tpu.vector_load %arg10[%swap3A_433] {strides = array<i32>} : memref<512xf32, #tpu.memory_space<vmem>>, vector<16xf32>,
    %swap3A_435 = vector.shape_cast %swap3A_434 : vector<16xf32> to vector<16xf32>
    %swap3A_436 = vector.shape_cast %add3A_432 : vector<16xf32> to vector<16xf32>
    tpu.vector_store %arg10[%swap3A_433], %swap3A_436 {strides = array<i32>} : memref<512xf32, #tpu.memory_space<vmem>>, vector<16xf32>,
    %get3A_437 = arith.constant 496 : index
    %get3A_438 = tpu.vector_load %arg10[%get3A_437] {strides = array<i32>} : memref<512xf32, #tpu.memory_space<vmem>>, vector<16xf32>,
    %get3A_439 = vector.shape_cast %get3A_438 : vector<16xf32> to vector<16xf32>
    %get3A_440 = arith.constant 496 : index
    %get3A_441 = tpu.vector_load %arg11[%get3A_440] {strides = array<i32>} : memref<512xf32, #tpu.memory_space<vmem>>, vector<16xf32>,
    %get3A_442 = vector.shape_cast %get3A_441 : vector<16xf32> to vector<16xf32>
    %add3A_443 = arith.addf %get3A_439, %get3A_442 : vector<16xf32>
    %add3A_444 = vector.broadcast %squeeze3A : f32 to vector<16xf32>
    %add3A_445 = arith.addf %add3A_443, %add3A_444 : vector<16xf32>
    %swap3A_446 = arith.constant 496 : index
    %swap3A_447 = tpu.vector_load %arg10[%swap3A_446] {strides = array<i32>} : memref<512xf32, #tpu.memory_space<vmem>>, vector<16xf32>,
    %swap3A_448 = vector.shape_cast %swap3A_447 : vector<16xf32> to vector<16xf32>
    %swap3A_449 = vector.shape_cast %add3A_445 : vector<16xf32> to vector<16xf32>
    tpu.vector_store %arg10[%swap3A_446], %swap3A_449 {strides = array<i32>} : memref<512xf32, #tpu.memory_space<vmem>>, vector<16xf32>,
    "tpu.region"() ({
      %run_scoped3A = tpu.sem_alloc : memref<!tpu.dma_semaphore, #tpu.memory_space<semaphore_mem>>
      %dma_start3A_450 = tpu.memref_slice %arg7[%mul3A_2] : memref<16384xf32, #tpu.memory_space<hbm>> -> memref<512xf32, #tpu.memory_space<hbm>>
      %dma_start3A_451 = tpu.memref_slice %arg7[%mul3A_2] : memref<16384xf32, #tpu.memory_space<hbm>> -> memref<512xf32, #tpu.memory_space<hbm>>
      tpu.enqueue_dma source(%arg10 : memref<512xf32, #tpu.memory_space<vmem>>) target(%dma_start3A_451 : memref<512xf32, #tpu.memory_space<hbm>>) target_semaphore(%run_scoped3A : memref<!tpu.dma_semaphore, #tpu.memory_space<semaphore_mem>>)
      %dma_wait3A_452 = tpu.memref_slice %arg7[%mul3A_2] : memref<16384xf32, #tpu.memory_space<hbm>> -> memref<512xf32, #tpu.memory_space<hbm>>
      %dma_wait3A_453 = tpu.memref_slice %arg7[%mul3A_2] : memref<16384xf32, #tpu.memory_space<hbm>> -> memref<512xf32, #tpu.memory_space<hbm>>
      tpu.wait_dma2 semaphore(%run_scoped3A : memref<!tpu.dma_semaphore, #tpu.memory_space<semaphore_mem>>) src(%arg10 : memref<512xf32, #tpu.memory_space<vmem>>) dst(%dma_wait3A_453 : memref<512xf32, #tpu.memory_space<hbm>>)
      tpu.yield
    }) : () -> ()
    return
  }
}

</mosaic_0001>

<sc_bundles>
// kernel: kernel.3.cloned.1.call-start
scs
__scs_entry_jumppad:
0x0: {  	(pc) =	sbr.rel $0x88, $3  }
0x1: {  	(tag) =	ssettag $0x0;
	lr =	simm.s32 $0x1  }
0x2: {  	[smem:$0x3F9C] =	sst lr;
	_ =	strace $0xD0000000  }
0x3: {  	_ = 	snop  }
0x4: {  	_ = 	snop  }
0x5: {  	_ = 	snop  }
0x6: {  	_ = 	snop  }
0x7: {  	_ = 	snop  }
__scs_overlays_trampoline_lowered:
0x8: {  	[smem:$0x3FAB] =	sst s0  }
0x9: {  	[smem:$0x3FAC] =	sst s1  }
0xa: {  	[smem:$0x3FAD] =	sst s2  }
0xb: {  	[smem:$0x3FAE] =	sst s3  }
0xc: {  	[smem:$0x3FAF] =	sst s4  }
0xd: {  	[smem:$0x3FB0] =	sst s5  }
0xe: {  	[smem:$0x3FB1] =	sst s6  }
0xf: {  	[smem:$0x3FB2] =	sst s7  }
0x10: {  	[smem:$0x3FB3] =	sst s8  }
0x11: {  	[smem:$0x3FB4] =	sst s9;
	s0 =	simm.s32 @!p0 $0x0  }
0x12: {  	s1 =	sld [smem:$0x3F9A];
	s0 =	simm.s32 @p0 $0x1  }
0x13: {  	[smem:$0x3FB5] =	sst s0;
	s0 =	simm.s32 @!p1 $0x0  }
0x14: {  	s2 =	sld [smem:$0x3F99];
	s0 =	simm.s32 @p1 $0x1  }
0x15: {  	[smem:$0x3FB6] =	sst s0;
	s0 =	simm.s32 @!p2 $0x0  }
0x16: {  	s3 =	sld [smem:$0x3FDB];
	s0 =	simm.s32 @p2 $0x1  }
0x17: {  	s4 =	simm.s32 $0x1BF5;
	[smem:$0x3FB8] =	sst s0  }
0x18: {  	s0 =	sld [smem:$0x3F9B];
	_ =	swait.ge [sflag:s4], $0x0  }
0x19: {  	s7 =	sld [smem:$0x3F9C]  }
0x1a: {  	s8 =	sadd.s32 $0xFFFFE003, lr  }
0x1b: {  	s9 =	sadd.s32 $0xFFFFFEF7, lr;
	s5 =	simm.s32 $0xFFFFFFFF;
	p2 =	slt.u32 s8, $0xFFFFF086  }
0x1c: {  	p1 =	slt.u32 s9, $0xF7A;
	s5 =	simm.s32 @!p2 $0x0  }
0x1d: {  	s5 =	simm.s32 @p1 $0x1;
	p0 =	seq.s32 s7, s2  }
0x1e: {  	s7 =	smul.u32 @!p0 $0xF7A, s2;
	p2 =	seq.s32 @!p0 s5, $0x0  }
0x1f: {  	s9 =	smul.u32 $0xF7A, s1;
	s8 =	simm.s32 @!p0 $0x1BF5;
	p2 =	por !p2, p0  }
0x20: {  	[sflag:s8] =	ssyncset.s32 @!p0 $0xFFFFF086;
	s6 =	sadd.s32 @!p0 s3, s7;
	s7 =	simm.s32 @!p0 $0x108  }
0x21: {  	s3 =	sadd.s32 s3, s9;
	s6 =	sadd.s32 @!p0 $0x88, s6;
	s7 =	simm.s32 @p2 $0x1082  }
0x22: {  	[simem:s7], [sflag:s8] =	dma.local @!p0 [hbm:s6], $0xF7A  }
0x23: {  	s9 =	sor.u32 $0xD0000000, s2;
	s6 =	simm.s32 $0x108;
	_ =	swait.ge @!p0 [sflag:s8], $0x0  }
0x24: {  	s3 =	sadd.s32 $0x88, s3;
	s6 =	simm.s32 @!p1 $0x1082;
	[sflag:s4] =	ssyncset.s32 $0xFFFFF086  }
0x25: {  	[simem:s6], [sflag:s4] =	dma.local [hbm:s3], $0xF7A  }
0x26: {  	[smem:$0x3F9C] =	sst s1;
	(tag) =	ssettag s2;
	_ =	strace s9  }
0x27: {  	s1 =	sld [smem:$0x3FAC]  }
0x28: {  	s2 =	sld [smem:$0x3FAD]  }
0x29: {  	s4 =	sld [smem:$0x3FAF]  }
0x2a: {  	p0 =	seq.s32 s5, $0x0;
	s5 =	sld [smem:$0x3FB0]  }
0x2b: {  	s6 =	sld [smem:$0x3FB1]  }
0x2c: {  	s7 =	sld [smem:$0x3FB2]  }
0x2d: {  	s3 =	simm.s32 $0x108;
	s8 =	sld [smem:$0x3FB3]  }
0x2e: {  	s3 =	simm.s32 @!p0 $0x1082;
	s9 =	sld [smem:$0x3FB4]  }
0x2f: {  	lr =	sadd.s32 s0, s3;
	s0 =	sld [smem:$0x3FAB]  }
0x30: {  	s3 =	sld [smem:$0x3FAE]  }
0x31: {  	[smem:$0x3FB7] =	sst s10  }
0x32: {  	s10 =	sld [smem:$0x3FB5];
	_ =	sdelay $0x3  }
0x33: {  	p0 =	seq.s32 s10, $0x1;
	s10 =	sld [smem:$0x3FB7];
	_ =	sdelay $0x3  }
0x34: {  	[smem:$0x3FB7] =	sst s10  }
0x35: {  	s10 =	sld [smem:$0x3FB6];
	_ =	sdelay $0x3  }
0x36: {  	p1 =	seq.s32 s10, $0x1;
	s10 =	sld [smem:$0x3FB7];
	_ =	sdelay $0x3  }
0x37: {  	[smem:$0x3FB7] =	sst s10  }
0x38: {  	s10 =	sld [smem:$0x3FB8]  }
0x39: {  	_ = 	snop;
	(pc) =	sbr.ind lr, $3  }
0x3a: {  	_ = 	snop  }
0x3b: {  	_ = 	snop  }
0x3c: {  	p2 =	seq.s32 s10, $0x1;
	s10 =	sld [smem:$0x3FB7]  }
0x3d: {  	_ =	shalt  }
0x3e: {  	_ =	shalt  }
0x3f: {  	_ =	shalt  }
0x40: {  	_ =	shalt  }
0x41: {  	_ =	shalt  }
0x42: {  	_ =	shalt  }
0x43: {  	_ =	shalt  }
0x44: {  	_ =	shalt  }
0x45: {  	_ =	shalt  }
0x46: {  	_ =	shalt  }
0x47: {  	_ =	shalt  }
0x48: {  	_ =	shalt  }
0x49: {  	_ =	shalt  }
0x4a: {  	_ =	shalt  }
0x4b: {  	_ =	shalt  }
0x4c: {  	_ =	shalt  }
0x4d: {  	_ =	shalt  }
0x4e: {  	_ =	shalt  }
0x4f: {  	_ =	shalt  }
0x50: {  	_ =	shalt  }
0x51: {  	_ =	shalt  }
0x52: {  	_ =	shalt  }
0x53: {  	_ =	shalt  }
0x54: {  	_ =	shalt  }
0x55: {  	_ =	shalt  }
0x56: {  	_ =	shalt  }
0x57: {  	_ =	shalt  }
0x58: {  	_ =	shalt  }
0x59: {  	_ =	shalt  }
0x5a: {  	_ =	shalt  }
0x5b: {  	_ =	shalt  }
0x5c: {  	_ =	shalt  }
0x5d: {  	_ =	shalt  }
0x5e: {  	_ =	shalt  }
0x5f: {  	_ =	shalt  }
0x60: {  	_ =	shalt  }
0x61: {  	_ =	shalt  }
0x62: {  	_ =	shalt  }
0x63: {  	_ =	shalt  }
0x64: {  	_ =	shalt  }
0x65: {  	_ =	shalt  }
0x66: {  	_ =	shalt  }
0x67: {  	_ =	shalt  }
0x68: {  	_ =	shalt  }
0x69: {  	_ =	shalt  }
0x6a: {  	_ =	shalt  }
0x6b: {  	_ =	shalt  }
0x6c: {  	_ =	shalt  }
0x6d: {  	_ =	shalt  }
0x6e: {  	_ =	shalt  }
0x6f: {  	_ =	shalt  }
0x70: {  	_ =	shalt  }
0x71: {  	_ =	shalt  }
0x72: {  	_ =	shalt  }
0x73: {  	_ =	shalt  }
0x74: {  	_ =	shalt  }
0x75: {  	_ =	shalt  }
0x76: {  	_ =	shalt  }
0x77: {  	_ =	shalt  }
0x78: {  	_ =	shalt  }
0x79: {  	_ =	shalt  }
0x7a: {  	_ =	shalt  }
0x7b: {  	_ =	shalt  }
0x7c: {  	_ =	shalt  }
0x7d: {  	_ =	shalt  }
0x7e: {  	_ =	shalt  }
0x7f: {  	_ =	shalt  }
0x80: {  	_ =	shalt  }
0x81: {  	_ =	shalt  }
0x82: {  	_ =	shalt  }
0x83: {  	_ =	shalt  }
0x84: {  	_ =	shalt  }
0x85: {  	_ =	shalt  }
0x86: {  	_ =	shalt  }
0x87: {  	_ =	shalt  }
.Lfunc_end0:
.L_simem_size_0:
called_computation_lowered:
.L_overlay_start_0:
0x88: {  	s2 =	sld [smem:$0x3FD9]  }
0x89: {  	s3 =	sld [smem:$0x3FFE];
	_ =	sdelay $0x1  }
0x8a: {  	s1 =	srdreg.scid  }
0x8b: {  	s0 =	sand.u32 $0x1, s1  }
0x8c: {  	s17 =	sshll.u32 s0, $0xA;
	s2 =	sadd.s32 s3, s2  }
0x8d: {  	s2 =	sadd.s32 s2, s17  }
0x8e: {  	[smem:$0x3FC3] =	sst s2  }
0x8f: {  	_ = 	snop  }
0x90: {  	s2 =	sld [smem:$0x3FC9]  }
0x91: {  	s18 =	sld [smem:$0x3FC8]  }
0x92: {  	s4 =	sld [smem:$0x3FC5]  }
0x93: {  	s5 =	sld [smem:$0x3FD0];
	(tm) =	ssettm $0x1  }
0x94: {  	s6 =	sld [smem:$0x3FFB];
	_ =	sdelay $0x3  }
0x95: {  	_ =	strace s6  }
0x96: {  	s6 =	sld [smem:$0x3FFC];
	_ =	sdelay $0x3  }
0x97: {  	_ =	strace s6  }
0x98: {  	s6 =	sld [smem:$0x3FFD];
	_ =	sdelay $0x3  }
0x99: {  	_ =	strace s6  }
0x9a: {  	_ =	strace $0x8FFFFFFF  }
0x9b: {  	s19 =	sld [smem:$0x3FDB];
	_ =	sdelay $0x1  }
0x9c: {  	s7 =	simm.s32 $_scs_section_size  }
0x9d: {  	s8 =	simm.s32 $_size__tile_overlayer_lowered;
	s9 =	simm.s32 $_tile_overlayer_lowered  }
0x9e: {  	s22 =	simm.s32 $0x1BFF;
	s21 =	sshll.u32 s9, $0x1;
	s6 =	sadd.s32 s7, s19  }
0x9f: {  	s10 =	simm.s32 $0x0;
	s20 =	sshll.u32 s8, $0x1;
	s8 =	sadd.s32 s21, s6  }
0xa0: {  	[timem:s10], [sflag:s22] =	dma.local [hbm:s8], s20  }
0xa1: {  	_ =	swait.ge [sflag:s22], s20  }
0xa2: {  	s7 =	ssub.s32 $0x0, s20;
	[sflag:s22] =	ssyncset.done $0x0  }
0xa3: {  	[sflag:s22] =	ssyncadd.s32 s7;
	_ =	sdelay $0x1  }
0xa4: {  	s23 =	simm.s32 $0x1B8B  }
0xa5: {  	_ =	swait.ge [sflag:s23], $0x1  }
0xa6: {  	[sflag:s23] =	ssyncset.done $0x0  }
0xa7: {  	s25 =	simm.s32 $0x1B8E;
	s24 =	sld [smem:$0x3FFE];
	[sflag:s23] =	ssyncadd.s32 $0xFFFFFFFF  }
0xa8: {  	s26 =	simm.s32 $execute0_lowered;
	[smem:$0x3FD2] =	sst s25  }
0xa9: {  	s8 =	sshll.u32 s26, $0x1;
	_ =	strace $0x80000046;
	[dreg:$0x1] =	wrdreg $0xFFFFFFFF  }
0xaa: {  	s28 =	simm.s32 $_size_execute0_lowered;
	s6 =	sadd.s32 s6, s8;
	[dreg:$0x0] =	wrdreg $0x0  }
0xab: {  	s8 =	sshll.u32 s28, $0x1;
	[dreg:$0x2] =	wrdreg s6  }
0xac: {  	[dreg:$0x3] =	wrdreg s8  }
0xad: {  	[dreg:$0x4] =	wrdreg $0xC0  }
0xae: {  	_ =	task [dreg:s10], $0x5FFFF  }
0xaf: {  	[dreg:$0x1] =	wrdreg $0xFFFFFFFF  }
0xb0: {  	[dreg:$0x0] =	wrdreg $0x60  }
0xb1: {  	[dreg:$0x2] =	wrdreg s2  }
0xb2: {  	[dreg:$0x3] =	wrdreg s18  }
0xb3: {  	[dreg:$0x4] =	wrdreg s24  }
0xb4: {  	[dreg:$0x5] =	wrdreg s4  }
0xb5: {  	[dreg:$0x6] =	wrdreg s5  }
0xb6: {  	[dreg:$0x7] =	wrdreg $0x9  }
0xb7: {  	_ =	task.clear_ibuf [dreg:s10], $0x8FFFF;
	_ =	strace $0x90000046  }
0xb8: {  	s29 =	simm.s32 $0x9;
	_ =	strace $0x80000048  }
0xb9: {  	_ =	swait.ge [sflag:s29], $0x1  }
0xba: {  	[sflag:s29] =	ssyncadd.s32 $0xFFFFFFFF  }
0xbb: {  	_ =	strace $0x90000048  }
0xbc: {  	_ =	sfence  }
0xbd: {  	s30 =	sld [smem:$0x0];
	_ =	sdelay $0x2  }
0xbe: {  	s31 =	sshll.u32 s1, $0xD;
	s1 =	sshrl.u32 s1, $0x2  }
0xbf: {  	s3 =	sand.u32 $0x4000, s31;
	s1 =	sadd.s32 s1, s30  }
0xc0: {  	s0 =	sor.u32 s3, s0;
	s1 =	sshll.u32 s1, $0x11  }
0xc1: {  	s0 =	sor.u32 s1, s0  }
0xc2: {  	s0 =	sadd.s32 $0x8F2B, s0  }
0xc3: {  	[sflag:s0] =	ssyncadd.remote.s32 $0x1  }
0xc4: {  	_ =	sfence.sel $0xFFFF  }
0xc5: {  	[dreg:$0x0] =	wrdreg $0xFFFFFFFF;
	(pc) =	sbr.abs _section_cstart, $3  }
0xc6: {  	[dreg:$0x1] =	wrdreg $0xFFFFFFFF  }
0xc7: {  	_ =	task.clear_ibuf [dreg:s10], $0x2FFFF;
	_ =	strace $0x9FFFFFFF  }
0xc8: {  	(tm) =	ssettm $0x7FFFFFFF  }
0xc9: {  	_ =	shalt  }
tec
execute0_lowered:
.L_overlay_start_1:
0x0: {  	(tag) =	ssettag $0x1  }
0x1: {  	s6 =	rddreg [dreg:$0x0]  }
0x2: {  	s7 =	rddreg [dreg:$0x1]  }
0x3: {  	s1 =	rddreg [dreg:$0x2]  }
0x4: {  	s2 =	rddreg [dreg:$0x3]  }
0x5: {  	s8 =	rddreg [dreg:$0x4]  }
0x6: {  	s0 =	rddreg [dreg:$0x5]  }
0x7: {  	s4 =	simm.s32 $0x0;
	s5 =	srdreg.scid;
	s3 =	stileid.u32  }
0x8: {  	s13 =	simm.s32 $0x1;
	s14 =	simm.s32 $0x400;
	s15 =	simm.s32 $0x2  }
0x9: {  	s16 =	simm.s32 $0x600;
	[smem:$0x7FF] =	sst s4;
	s5 =	sand.u32 $0x1, s5  }
0xa: {  	s10 =	sshll.u32 s3, $0x7;
	_ =	strace $0x80000047;
	s9 =	ssub.s32 $0x2, s5  }
0xb: {  	s11 =	sshll.u32 s5, $0x6;
	s5 =	sadd.s32 $0x3200, s1;
	s12 =	sshrl.u32 s9, $0x1  }
0xc: {  	s10 =	sor.u32 s11, s10;
	s11 =	simm.s32 $0x800;
	s9 =	ssub.s32 s9, s12  }
0xd: {  	s6 =	sadd.s32 s6, s10;
	s7 =	sadd.s32 s7, s10;
	s8 =	sadd.s32 s8, s10  }
0xe: {  	s10 =	simm.s32 $0x200;
	s12 =	simm.s32 $0x3;
	s9 =	smax.u32 s9, $0x1  }
.LBB2_1:
0xf: {  	[tilespmem:s4], [sflag:$0x1] =	stream.linear.gather [hbm4b:s6+s4], $0x200, $0x38;
	[tilespmem:$0x880] =	vst v63  }
0x10: {  	_ = 	snop  }
0x11: {  	[tilespmem:s10], [sflag:$0x2] =	stream.linear.gather [hbm4b:s7+s4], $0x200, $0x38;
	[tilespmem:$0x880] =	vst v63  }
0x12: {  	_ = 	snop  }
0x13: {  	[tilespmem:s11], [sflag:$0x3] =	stream.linear.gather [hbm4b:s2+s4], $0x1, $0x38;
	[tilespmem:$0x880] =	vst v63  }
0x14: {  	_ =	swait.ge [sflag:s12], $0x1  }
0x15: {  	[sflag:s12] =	ssyncset.done $0x0  }
0x16: {  	[sflag:s12] =	ssyncadd.s32 $0xFFFFFFFF  }
0x17: {  	_ =	swait.ge [sflag:s13], $0x200  }
0x18: {  	[sflag:s13] =	ssyncset.done $0x0  }
0x19: {  	[sflag:s13] =	ssyncadd.s32 $0xFFFFFE00  }
0x1a: {  	[tilespmem:s14], [sflag:$0x1] =	stream.indirect.gather [hbm4b:s5+s10], $0x1, s4, s10, $0xb8;
	[tilespmem:$0x880] =	vst v63  }
0x1b: {  	_ =	swait.ge [sflag:s15], $0x200  }
0x1c: {  	[sflag:s15] =	ssyncset.done $0x0  }
0x1d: {  	[sflag:s15] =	ssyncadd.s32 $0xFFFFFE00  }
0x1e: {  	[tilespmem:s16], [sflag:$0x2] =	stream.indirect.gather [hbm4b:s1+s10], $0x1, s10, s10, $0xb8;
	[tilespmem:$0x880] =	vst v63  }
0x1f: {  	_ =	swait.ge [sflag:s13], $0x200  }
0x20: {  	[sflag:s13] =	ssyncset.done $0x0  }
0x21: {  	[sflag:s13] =	ssyncadd.s32 $0xFFFFFE00  }
0x22: {  	_ =	swait.ge [sflag:s15], $0x200  }
0x23: {  	[sflag:s15] =	ssyncset.done $0x0  }
0x24: {  	[sflag:s15] =	ssyncadd.s32 $0xFFFFFE00  }
0x25: {  	v1 =	vld [tilespmem:$0x400]  }
0x26: {  	v2 =	vld [tilespmem:$0x600]  }
0x27: {  	v0 =	vld.msk [tilespmem:$0x800 ss:$0x0], $0xffff  }
0x28: {  	v3 =	vld [tilespmem:$0x410]  }
0x29: {  	v4 =	vld [tilespmem:$0x610]  }
0x2a: {  	v5 =	vld [tilespmem:$0x420]  }
0x2b: {  	v6 =	vld [tilespmem:$0x620]  }
0x2c: {  	v7 =	vld [tilespmem:$0x430]  }
0x2d: {  	v8 =	vld [tilespmem:$0x630]  }
0x2e: {  	v9 =	vld [tilespmem:$0x440]  }
0x2f: {  	v10 =	vld [tilespmem:$0x640]  }
0x30: {  	v11 =	vld [tilespmem:$0x450]  }
0x31: {  	v12 =	vld [tilespmem:$0x650]  }
0x32: {  	v13 =	vld [tilespmem:$0x460]  }
0x33: {  	v14 =	vld [tilespmem:$0x660]  }
0x34: {  	v15 =	vld [tilespmem:$0x470]  }
0x35: {  	v16 =	vld [tilespmem:$0x670]  }
0x36: {  	v17 =	vld [tilespmem:$0x480]  }
0x37: {  	v18 =	vld [tilespmem:$0x680]  }
0x38: {  	v19 =	vld [tilespmem:$0x490]  }
0x39: {  	v20 =	vld [tilespmem:$0x690]  }
0x3a: {  	v21 =	vld [tilespmem:$0x4A0]  }
0x3b: {  	v22 =	vld [tilespmem:$0x6A0]  }
0x3c: {  	v23 =	vld [tilespmem:$0x4B0]  }
0x3d: {  	v24 =	vld [tilespmem:$0x6B0]  }
0x3e: {  	v25 =	vld [tilespmem:$0x4C0]  }
0x3f: {  	v26 =	vld [tilespmem:$0x6C0]  }
0x40: {  	v27 =	vld [tilespmem:$0x4D0]  }
0x41: {  	v28 =	vld [tilespmem:$0x6D0]  }
0x42: {  	v29 =	vld [tilespmem:$0x4E0]  }
0x43: {  	v30 =	vld [tilespmem:$0x6E0]  }
0x44: {  	v31 =	vld [tilespmem:$0x4F0]  }
0x45: {  	v32 =	vld [tilespmem:$0x6F0]  }
0x46: {  	v33 =	vld [tilespmem:$0x500]  }
0x47: {  	v34 =	vld [tilespmem:$0x700]  }
0x48: {  	v35 =	vld [tilespmem:$0x510]  }
0x49: {  	v36 =	vld [tilespmem:$0x710]  }
0x4a: {  	v37 =	vld [tilespmem:$0x520]  }
0x4b: {  	v45 =	vld [tilespmem:$0x760];
	v1 =	vadd.f32 v2, v1;
	v3 =	vadd.f32 v4, v3  }
0x4c: {  	v48 =	vld [tilespmem:$0x570];
	v5 =	vadd.f32 v6, v5;
	v7 =	vadd.f32 v8, v7  }
0x4d: {  	v51 =	vld [tilespmem:$0x770];
	v62 =	vadd.f32 v10, v9;
	v1 =	vadd.f32 v1, v0  }
0x4e: {  	v54 =	vld [tilespmem:$0x580];
	v38 =	vadd.f32 v12, v11;
	v3 =	vadd.f32 v3, v0  }
0x4f: {  	v57 =	vld [tilespmem:$0x780];
	v40 =	vadd.f32 v14, v13;
	v61 =	vadd.f32 v5, v0;
	[tilespmem:$0x400] =	vst v1  }
0x50: {  	v60 =	vld [tilespmem:$0x590];
	v42 =	vadd.f32 v16, v15;
	v63 =	vadd.f32 v7, v0;
	[tilespmem:$0x410] =	vst v3  }
0x51: {  	v2 =	vld [tilespmem:$0x720];
	v44 =	vadd.f32 v18, v17;
	v39 =	vadd.f32 v62, v0;
	[tilespmem:$0x420] =	vst v61  }
0x52: {  	v4 =	vld [tilespmem:$0x530];
	v47 =	vadd.f32 v20, v19;
	v41 =	vadd.f32 v38, v0;
	[tilespmem:$0x430] =	vst v63  }
0x53: {  	v6 =	vld [tilespmem:$0x730];
	v50 =	vadd.f32 v22, v21;
	v43 =	vadd.f32 v40, v0;
	[tilespmem:$0x440] =	vst v39  }
0x54: {  	v8 =	vld [tilespmem:$0x540];
	v53 =	vadd.f32 v24, v23;
	v46 =	vadd.f32 v42, v0;
	[tilespmem:$0x450] =	vst v41  }
0x55: {  	v9 =	vld [tilespmem:$0x740];
	v56 =	vadd.f32 v26, v25;
	v49 =	vadd.f32 v44, v0;
	[tilespmem:$0x460] =	vst v43  }
0x56: {  	v10 =	vld [tilespmem:$0x550];
	v59 =	vadd.f32 v28, v27;
	v52 =	vadd.f32 v47, v0;
	[tilespmem:$0x470] =	vst v46  }
0x57: {  	v11 =	vld [tilespmem:$0x750];
	v25 =	vadd.f32 v32, v31;
	v55 =	vadd.f32 v50, v0;
	[tilespmem:$0x480] =	vst v49  }
0x58: {  	v12 =	vld [tilespmem:$0x560];
	v28 =	vadd.f32 v34, v33;
	v58 =	vadd.f32 v53, v0;
	[tilespmem:$0x490] =	vst v52  }
0x59: {  	v26 =	vld [tilespmem:$0x5A0];
	v31 =	vadd.f32 v36, v35;
	v24 =	vadd.f32 v59, v0;
	[tilespmem:$0x4A0] =	vst v55  }
0x5a: {  	v32 =	vld [tilespmem:$0x5B0];
	v62 =	vadd.f32 v30, v29;
	v30 =	vadd.f32 v25, v0;
	[tilespmem:$0x4B0] =	vst v58  }
0x5b: {  	v34 =	vld [tilespmem:$0x7B0];
	v33 =	vadd.f32 v28, v0;
	[tilespmem:$0x4D0] =	vst v24  }
0x5c: {  	v36 =	vld [tilespmem:$0x5C0];
	v35 =	vadd.f32 v31, v0;
	[tilespmem:$0x4F0] =	vst v30  }
0x5d: {  	v29 =	vld [tilespmem:$0x7A0];
	v47 =	vadd.f32 v51, v48;
	v61 =	vadd.f32 v56, v0;
	[tilespmem:$0x500] =	vst v33  }
0x5e: {  	v42 =	vld [tilespmem:$0x5D0];
	v50 =	vadd.f32 v57, v54;
	v27 =	vadd.f32 v62, v0;
	[tilespmem:$0x510] =	vst v35  }
0x5f: {  	v48 =	vld [tilespmem:$0x5E0];
	v52 =	vadd.f32 v47, v0;
	v2 =	vadd.f32 v2, v37;
	[tilespmem:$0x4C0] =	vst v61  }
0x60: {  	v51 =	vld [tilespmem:$0x7E0];
	v55 =	vadd.f32 v50, v0;
	v4 =	vadd.f32 v6, v4;
	[tilespmem:$0x4E0] =	vst v27  }
0x61: {  	v54 =	vld [tilespmem:$0x5F0];
	v38 =	vadd.f32 v9, v8;
	[tilespmem:$0x570] =	vst v52;
	v37 =	vadd.f32 v2, v0  }
0x62: {  	v63 =	vld [tilespmem:$0x790];
	v41 =	vadd.f32 v11, v10;
	[tilespmem:$0x580] =	vst v55;
	v40 =	vadd.f32 v4, v0  }
0x63: {  	v39 =	vld [tilespmem:$0x7C0];
	v44 =	vadd.f32 v45, v12;
	v43 =	vadd.f32 v38, v0;
	[tilespmem:$0x520] =	vst v37  }
0x64: {  	v45 =	vld [tilespmem:$0x7D0];
	v58 =	vadd.f32 v34, v32;
	v46 =	vadd.f32 v41, v0;
	[tilespmem:$0x530] =	vst v40  }
0x65: {  	v57 =	vld [tilespmem:$0x7F0];
	v49 =	vadd.f32 v44, v0;
	v56 =	vadd.f32 v29, v26;
	[tilespmem:$0x540] =	vst v43  }
0x66: {  	v3 =	vadd.f32 v58, v0;
	v61 =	vadd.f32 v51, v48;
	[tilespmem:$0x550] =	vst v46  }
0x67: {  	v53 =	vadd.f32 v63, v60;
	[tilespmem:$0x560] =	vst v49;
	v2 =	vadd.f32 v56, v0  }
0x68: {  	v59 =	vadd.f32 v39, v36;
	[tilespmem:$0x5B0] =	vst v3;
	v63 =	vadd.f32 v61, v0  }
0x69: {  	v60 =	vadd.f32 v45, v42;
	v4 =	vadd.f32 v53, v0;
	[tilespmem:$0x5A0] =	vst v2  }
0x6a: {  	v62 =	vadd.f32 v57, v54;
	v1 =	vadd.f32 v59, v0;
	[tilespmem:$0x5E0] =	vst v63  }
0x6b: {  	[tilespmem:$0x590] =	vst v4;
	v4 =	vadd.f32 v60, v0  }
0x6c: {  	[tilespmem:$0x5C0] =	vst v1;
	v0 =	vadd.f32 v62, v0  }
0x6d: {  	p0 =	sne.s32 s9, $0x1;
	[tilespmem:$0x5D0] =	vst v4  }
.Ltmp0:
0x6e: {  	[tilespmem:$0x5F0] =	vst v0;
	(pc) =	sbr.rel @p0 .LBB2_1-.Ltmp0, $4  }
0x6f: {  	[hbm4b:s8+s4] =	stream.linear.scatter [tilespmem:s14], [sflag:$0x3], $0x200, $0x38;
	[tilespmem:$0x880] =	vst v63  }
0x70: {  	_ =	swait.ge [sflag:s12], $0x200  }
0x71: {  	[sflag:s12] =	ssyncset.done $0x0  }
0x72: {  	s9 =	sadd.s32 $0xFFFFFFFF, s9;
	[sflag:s12] =	ssyncadd.s32 $0xFFFFFE00  }
0x73: {  	_ =	sfence.sel $0x180000  }
0x74: {  	[bflag:$0x0] =	sbarrier.arrive $0xFFFF  }
0x75: {  	p0 =	sne.s32 s3, $0x0;
	_ =	strace $0x90000047  }
0x76: {  	s0 =	sadd.s32 @!p0 $0x100000, s0;
	[bflag:$0x2] =	sbarrier.arrive $0xFFFF  }
0x77: {  	[sflag:s0] =	ssyncadd.tile.s32 @!p0 $0x1;
	_ =	shalt  }
.Lfunc_end2:
_tile_overlayer_lowered:
.L_overlay_start_2:
0x78: {  	(tag) =	ssettag $0x2  }
0x79: {  	s0 =	rddreg [dreg:$0x0];
	s2 =	stileid.u32  }
0x7a: {  	s1 =	rddreg [dreg:$0x1];
	p0 =	sne.s32 s2, $0x0  }
0x7b: {  	s3 =	rddreg [dreg:$0x2];
	[bflag:$0x3] =	sbarrier.arrive $0xFFFF;
	s2 =	simm.s32 @!p0 $0x1C03  }
0x7c: {  	[timem:s3], [sflag:s2] =	dma.local @!p0 [hbm:s0], s1  }
0x7d: {  	s0 =	simm.s32 @!p0 $0x3  }
0x7e: {  	_ =	swait.ge @!p0 [sflag:s0], s1  }
0x7f: {  	s1 =	ssub.s32 @!p0 $0x0, s1;
	[sflag:s0] =	ssyncset.done @!p0 $0x0  }
0x80: {  	[sflag:s0] =	ssyncadd.s32 @!p0 s1  }
0x81: {  	[bflag:$0x3] =	sbarrier.arrive $0xFFFF  }
0x82: {  	_ =	shalt  }

</sc_bundles>
